<compile_context>
chip_gen: v7x
topology: tpu7x:2x2x1
jax: 0.10.2.dev20260603
libtpu: 0.0.44.dev20260713+nightly
codegen_flags: <defaults>
</compile_context>

<pallas_src>
import functools

import jax
import jax.numpy as jnp
import numpy as np
from jax import lax
from jax.experimental import pallas as pl
from jax.experimental.pallas import tpu as pltpu
from jax.experimental.pallas import tpu_sc as plsc

NUM_SERIES = 64
K = 8
B = 4096
T = 200
D = 128
BR = 512



@functools.cache
def _make_sc_gather():
    info = plsc.get_sparse_core_info()
    nc, ns = info.num_cores, info.num_subcores
    nw = nc * ns
    mesh = plsc.VectorSubcoreMesh(core_axis_name="c", subcore_axis_name="s")

    @functools.partial(
        pl.kernel,
        mesh=mesh,
        out_type=jax.ShapeDtypeStruct((B, D), jnp.float32),
        scratch_types=[
            pltpu.VMEM((B // nw,), jnp.int32),
            pltpu.VMEM((B // nw, D), jnp.float32),
            pltpu.SemaphoreType.DMA,
        ],
        compiler_params=pltpu.CompilerParams(use_tc_tiling_on_sc=False),
    )
    def gather_kernel(table_hbm, idx_hbm, out_hbm, idx_v, rows_v, sem):
        bw = B // nw
        wid = lax.axis_index("s") * nc + lax.axis_index("c")
        base = wid * bw
        pltpu.sync_copy(idx_hbm.at[pl.ds(base, bw)], idx_v)
        pltpu.async_copy(table_hbm.at[idx_v], rows_v, sem).wait()
        pltpu.sync_copy(rows_v, out_hbm.at[pl.ds(base, bw)])

    return gather_kernel



_COS_COEFS = (-59.58028076034274, 61.107297158754044,
              -19.552735135991313, 0.998566776846633)


def _fourier_body(x_ref, g_ref, o_ref):
    xb = x_ref[...]
    g = g_ref[...]
    acc = jnp.broadcast_to(g[:, 3 * K:3 * K + 1], xb.shape)
    for k in range(K):
        f = g[:, k:k + 1]
        ph = g[:, K + k:K + k + 1]
        amp = g[:, 2 * K + k:2 * K + k + 1]
        u = xb * f + ph
        r = u - jnp.round(u)
        s = r * r
        p = _COS_COEFS[0]
        for c in _COS_COEFS[1:]:
            p = p * s + c
        acc = acc + amp * p
    o_ref[...] = acc


def _tc_fourier(x, g):
    rows = x.shape[0]
    return pl.pallas_call(
        _fourier_body,
        grid=(rows // BR,),
        in_specs=[
            pl.BlockSpec((BR, T), lambda i: (i, 0)),
            pl.BlockSpec((BR, D), lambda i: (i, 0)),
        ],
        out_specs=pl.BlockSpec((BR, T), lambda i: (i, 0)),
        out_shape=jax.ShapeDtypeStruct((rows, T), jnp.float32),
        compiler_params=pltpu.CompilerParams(
            dimension_semantics=("arbitrary",),
        ),
    )(x, g)


def kernel(x, series_id, layers1_weight, layers1_bias, layers2_weight, layers2_bias):
    t1 = jnp.pad(layers1_weight[:, 0, :], ((0, 0), (0, D - K)))
    t2 = jnp.pad((1.0 / (2.0 * np.pi)) * layers1_bias[:, 0, :],
                 ((0, 0), (K, D - 2 * K)))
    t3 = jnp.pad(layers2_weight[:, :, 0], ((0, 0), (2 * K, D - 3 * K)))
    t4 = jnp.pad(layers2_bias[:, 0, :], ((0, 0), (3 * K, D - 3 * K - 1)))
    table = t1 + t2 + t3 + t4
    sid = series_id.reshape(-1).astype(jnp.int32)
    g = _make_sc_gather()(table, sid)
    return _tc_fourier(x, g)

# --- scband reference (transcript-rebuilt; emitter-appended) ---
"""Pipeline reference for scband-periodicity-module-36352603193600 (READ-ONLY COPY).

The authoritative reference and input builder live on the scoring server;
editing this copy changes nothing except your own understanding.
"""

import jax, jax.numpy as jnp
import numpy as np

NUM_SERIES = 64
K = 8
B = 4096
T = 200

def setup_inputs(seed: int = 0) -> dict:
    key = jax.random.key(seed)
    k1, k2, k3, k4, k5, k6 = jax.random.split(key, 6)
    x = jax.random.normal(k1, (B, T), dtype=jnp.float32)
    series_id = jax.random.randint(k2, (B,), 0, NUM_SERIES)
    # learned per-series parameters, shaped exactly like the torch module's Parameters
    layers1_weight = jax.random.uniform(k3, (NUM_SERIES, 1, K), dtype=jnp.float32, minval=0.05, maxval=1.0)   # all_f.unsqueeze(1)
    layers1_bias = jax.random.uniform(k4, (NUM_SERIES, 1, K), dtype=jnp.float32, minval=0.0, maxval=2.0 * np.pi)  # all_p.unsqueeze(1)
    layers2_weight = jax.random.normal(k5, (NUM_SERIES, K, 1), dtype=jnp.float32) * 0.5   # all_a.unsqueeze(-1)
    layers2_bias = jax.random.normal(k6, (NUM_SERIES, 1, 1), dtype=jnp.float32) * 0.1     # all_mean.unsqueeze(-1).unsqueeze(-1)
    return {"x": x, "series_id": series_id,
            "layers1_weight": layers1_weight, "layers1_bias": layers1_bias,
            "layers2_weight": layers2_weight, "layers2_bias": layers2_bias}

def reference(x, series_id, layers1_weight, layers1_bias, layers2_weight, layers2_bias):
    sid = series_id.reshape(-1)
    # index_select(0, sid) -> gather rows of each per-series parameter table
    w1 = jnp.take(layers1_weight, sid, axis=0)  # [B, 1, K]
    b1 = jnp.take(layers1_bias, sid, axis=0)    # [B, 1, K]
    w2 = jnp.take(layers2_weight, sid, axis=0)  # [B, K, 1]
    b2 = jnp.take(layers2_bias, sid, axis=0)    # [B, 1, 1]
    h = 2.0 * np.pi * jnp.matmul(x[..., None], w1) + b1  # [B, T, K]
    h = jnp.cos(h)
    out = jnp.matmul(h, w2) + b2                         # [B, T, 1]
    return out.squeeze(-1)                               # [B, T]

if __name__ == "__main__":
    import jax
    _d = setup_inputs()
    print(jax.jit(kernel)(*tuple(_d.values())))

</pallas_src>

<mosaic_0001>
#map = affine_map<(d0, d1) -> (0, 0)>
#map1 = affine_map<(d0, d1) -> (0)>
module attributes {stable_mosaic.version = 14 : i64} {
  func.func @gather_kernel(%arg0: i32, %arg1: i32, %arg2: memref<64x128xf32, #tpu.memory_space<hbm>>, %arg3: memref<4096xi32, #tpu.memory_space<hbm>>, %arg4: memref<4096x128xf32, #tpu.memory_space<hbm>>, %arg5: memref<128xi32, #tpu.memory_space<vmem>>, %arg6: memref<128x128xf32, #tpu.memory_space<vmem>>, %arg7: memref<!tpu.dma_semaphore, #tpu.memory_space<semaphore_mem>>) attributes {dimension_semantics = [#tpu.dimension_semantics<core_parallel>, #tpu.dimension_semantics<subcore_parallel>], iteration_bounds = array<i64: 2, 16>, scalar_prefetch = 0 : i64, scratch_operands = 3 : i64, tpu.core_type = #tpu.core_type<sc_vector_subcore>, window_params = [{transform_indices = #map}, {transform_indices = #map1}, {transform_indices = #map}]} {
    %mul3A = arith.constant 2 : i32
    %mul3A_0 = arith.muli %arg1, %mul3A : i32
    %add3A = arith.addi %mul3A_0, %arg0 : i32
    %mul3A_1 = arith.constant 128 : i32
    %mul3A_2 = arith.muli %add3A, %mul3A_1 : i32
    "tpu.region"() ({
      %run_scoped3A = tpu.sem_alloc : memref<!tpu.dma_semaphore, #tpu.memory_space<semaphore_mem>>
      %dma_start3A_7 = tpu.memref_slice %arg3[%mul3A_2] : memref<4096xi32, #tpu.memory_space<hbm>> -> memref<128xi32, #tpu.memory_space<hbm>>
      %dma_start3A_8 = tpu.memref_slice %arg3[%mul3A_2] : memref<4096xi32, #tpu.memory_space<hbm>> -> memref<128xi32, #tpu.memory_space<hbm>>
      tpu.enqueue_dma source(%dma_start3A_8 : memref<128xi32, #tpu.memory_space<hbm>>) target(%arg5 : memref<128xi32, #tpu.memory_space<vmem>>) target_semaphore(%run_scoped3A : memref<!tpu.dma_semaphore, #tpu.memory_space<semaphore_mem>>)
      %dma_wait3A_9 = tpu.memref_slice %arg3[%mul3A_2] : memref<4096xi32, #tpu.memory_space<hbm>> -> memref<128xi32, #tpu.memory_space<hbm>>
      %dma_wait3A_10 = tpu.memref_slice %arg3[%mul3A_2] : memref<4096xi32, #tpu.memory_space<hbm>> -> memref<128xi32, #tpu.memory_space<hbm>>
      tpu.wait_dma2 semaphore(%run_scoped3A : memref<!tpu.dma_semaphore, #tpu.memory_space<semaphore_mem>>) src(%dma_wait3A_10 : memref<128xi32, #tpu.memory_space<hbm>>) dst(%arg5 : memref<128xi32, #tpu.memory_space<vmem>>)
      tpu.yield
    }) : () -> ()
    %dma_start3A = arith.constant 0 : i32
    %dma_start3A_3 = arith.constant 0 : i32
    %dma_start3A_4 = tpu.memref_slice %arg2[%dma_start3A, %dma_start3A_3] : memref<64x128xf32, #tpu.memory_space<hbm>> -> memref<64x128xf32, #tpu.memory_space<hbm>>
    tpu.enqueue_indirect_dma source(%dma_start3A_4 : memref<64x128xf32, #tpu.memory_space<hbm>>) target(%arg6 : memref<128x128xf32, #tpu.memory_space<vmem>>) offsets(%arg5 : memref<128xi32, #tpu.memory_space<vmem>>) semaphore(%arg7 : memref<!tpu.dma_semaphore, #tpu.memory_space<semaphore_mem>>)
    %dma_wait3A = arith.constant 0 : i32
    %dma_wait3A_5 = arith.constant 0 : i32
    %dma_wait3A_6 = tpu.memref_slice %arg2[%dma_wait3A, %dma_wait3A_5] : memref<64x128xf32, #tpu.memory_space<hbm>> -> memref<64x128xf32, #tpu.memory_space<hbm>>
    tpu.wait_indirect_dma semaphore(%arg7 : memref<!tpu.dma_semaphore, #tpu.memory_space<semaphore_mem>>) src(%dma_wait3A_6 : memref<64x128xf32, #tpu.memory_space<hbm>>) dst(%arg6 : memref<128x128xf32, #tpu.memory_space<vmem>>)
    "tpu.region"() ({
      %run_scoped3A = tpu.sem_alloc : memref<!tpu.dma_semaphore, #tpu.memory_space<semaphore_mem>>
      %dma_start3A_7 = arith.constant 0 : i32
      %dma_start3A_8 = tpu.memref_slice %arg4[%mul3A_2, %dma_start3A_7] : memref<4096x128xf32, #tpu.memory_space<hbm>> -> memref<128x128xf32, #tpu.memory_space<hbm>>
      %dma_start3A_9 = arith.constant 0 : i32
      %dma_start3A_10 = tpu.memref_slice %arg4[%mul3A_2, %dma_start3A_9] : memref<4096x128xf32, #tpu.memory_space<hbm>> -> memref<128x128xf32, #tpu.memory_space<hbm>>
      tpu.enqueue_dma source(%arg6 : memref<128x128xf32, #tpu.memory_space<vmem>>) target(%dma_start3A_10 : memref<128x128xf32, #tpu.memory_space<hbm>>) target_semaphore(%run_scoped3A : memref<!tpu.dma_semaphore, #tpu.memory_space<semaphore_mem>>)
      %dma_wait3A_11 = arith.constant 0 : i32
      %dma_wait3A_12 = tpu.memref_slice %arg4[%mul3A_2, %dma_wait3A_11] : memref<4096x128xf32, #tpu.memory_space<hbm>> -> memref<128x128xf32, #tpu.memory_space<hbm>>
      %dma_wait3A_13 = arith.constant 0 : i32
      %dma_wait3A_14 = tpu.memref_slice %arg4[%mul3A_2, %dma_wait3A_13] : memref<4096x128xf32, #tpu.memory_space<hbm>> -> memref<128x128xf32, #tpu.memory_space<hbm>>
      tpu.wait_dma2 semaphore(%run_scoped3A : memref<!tpu.dma_semaphore, #tpu.memory_space<semaphore_mem>>) src(%arg6 : memref<128x128xf32, #tpu.memory_space<vmem>>) dst(%dma_wait3A_14 : memref<128x128xf32, #tpu.memory_space<hbm>>)
      tpu.yield
    }) : () -> ()
    return
  }
}

module attributes {stable_mosaic.version = 14 : i64} {
  func.func @_fourier_body(%arg0: i32, %arg1: memref<512x200xf32, #tpu.memory_space<vmem>>, %arg2: memref<512x128xf32, #tpu.memory_space<vmem>>, %arg3: memref<512x200xf32, #tpu.memory_space<vmem>>) attributes {dimension_semantics = [#tpu.dimension_semantics<arbitrary>], iteration_bounds = array<i64: 8>, scalar_prefetch = 0 : i64, scratch_operands = 0 : i64, tpu.core_type = #tpu.core_type<tc>, window_params = [{transform_indices = @transform_0, window_bounds = array<i64: 512, 200>}, {transform_indices = @transform_1, window_bounds = array<i64: 512, 128>}, {transform_indices = @transform_2, window_bounds = array<i64: 512, 200>}]} {
    %get3A = arith.constant 0 : index
    %get3A_0 = arith.constant 0 : index
    %get3A_1 = vector.load %arg1[%get3A, %get3A_0] : memref<512x200xf32, #tpu.memory_space<vmem>>, vector<512x200xf32>
    %get3A_2 = arith.constant 0 : index
    %get3A_3 = arith.constant 0 : index
    %get3A_4 = vector.load %arg2[%get3A_2, %get3A_3] : memref<512x128xf32, #tpu.memory_space<vmem>>, vector<512x128xf32>
    %slice3A = vector.extract_strided_slice %get3A_4 {offsets = [0, 24], sizes = [512, 1], strides = [1, 1]} : vector<512x128xf32> to vector<512x1xf32>
    %broadcast_in_dim3A = vector.shape_cast %slice3A : vector<512x1xf32> to vector<512x1xf32>
    %broadcast_in_dim3A_5 = vector.broadcast %broadcast_in_dim3A : vector<512x1xf32> to vector<512x200xf32>
    %slice3A_6 = vector.extract_strided_slice %get3A_4 {offsets = [0, 0], sizes = [512, 1], strides = [1, 1]} : vector<512x128xf32> to vector<512x1xf32>
    %slice3A_7 = vector.extract_strided_slice %get3A_4 {offsets = [0, 8], sizes = [512, 1], strides = [1, 1]} : vector<512x128xf32> to vector<512x1xf32>
    %slice3A_8 = vector.extract_strided_slice %get3A_4 {offsets = [0, 16], sizes = [512, 1], strides = [1, 1]} : vector<512x128xf32> to vector<512x1xf32>
    %mul3A = vector.broadcast %slice3A_6 : vector<512x1xf32> to vector<512x200xf32>
    %mul3A_9 = arith.mulf %get3A_1, %mul3A : vector<512x200xf32>
    %add3A = vector.broadcast %slice3A_7 : vector<512x1xf32> to vector<512x200xf32>
    %add3A_10 = arith.addf %mul3A_9, %add3A : vector<512x200xf32>
    %round3A = math.roundeven %add3A_10 : vector<512x200xf32>
    %sub3A = arith.subf %add3A_10, %round3A : vector<512x200xf32>
    %mul3A_11 = arith.mulf %sub3A, %sub3A : vector<512x200xf32>
    %mul3A_12 = arith.constant -59.5802803 : f32
    %mul3A_13 = vector.broadcast %mul3A_12 : f32 to vector<512x200xf32>
    %mul3A_14 = arith.mulf %mul3A_13, %mul3A_11 : vector<512x200xf32>
    %add3A_15 = arith.constant 61.107296 : f32
    %add3A_16 = vector.broadcast %add3A_15 : f32 to vector<512x200xf32>
    %add3A_17 = arith.addf %mul3A_14, %add3A_16 : vector<512x200xf32>
    %mul3A_18 = arith.mulf %add3A_17, %mul3A_11 : vector<512x200xf32>
    %add3A_19 = arith.constant -19.5527344 : f32
    %add3A_20 = vector.broadcast %add3A_19 : f32 to vector<512x200xf32>
    %add3A_21 = arith.addf %mul3A_18, %add3A_20 : vector<512x200xf32>
    %mul3A_22 = arith.mulf %add3A_21, %mul3A_11 : vector<512x200xf32>
    %add3A_23 = arith.constant 0.998566806 : f32
    %add3A_24 = vector.broadcast %add3A_23 : f32 to vector<512x200xf32>
    %add3A_25 = arith.addf %mul3A_22, %add3A_24 : vector<512x200xf32>
    %mul3A_26 = vector.broadcast %slice3A_8 : vector<512x1xf32> to vector<512x200xf32>
    %mul3A_27 = arith.mulf %mul3A_26, %add3A_25 : vector<512x200xf32>
    %add3A_28 = arith.addf %broadcast_in_dim3A_5, %mul3A_27 : vector<512x200xf32>
    %slice3A_29 = vector.extract_strided_slice %get3A_4 {offsets = [0, 1], sizes = [512, 1], strides = [1, 1]} : vector<512x128xf32> to vector<512x1xf32>
    %slice3A_30 = vector.extract_strided_slice %get3A_4 {offsets = [0, 9], sizes = [512, 1], strides = [1, 1]} : vector<512x128xf32> to vector<512x1xf32>
    %slice3A_31 = vector.extract_strided_slice %get3A_4 {offsets = [0, 17], sizes = [512, 1], strides = [1, 1]} : vector<512x128xf32> to vector<512x1xf32>
    %mul3A_32 = vector.broadcast %slice3A_29 : vector<512x1xf32> to vector<512x200xf32>
    %mul3A_33 = arith.mulf %get3A_1, %mul3A_32 : vector<512x200xf32>
    %add3A_34 = vector.broadcast %slice3A_30 : vector<512x1xf32> to vector<512x200xf32>
    %add3A_35 = arith.addf %mul3A_33, %add3A_34 : vector<512x200xf32>
    %round3A_36 = math.roundeven %add3A_35 : vector<512x200xf32>
    %sub3A_37 = arith.subf %add3A_35, %round3A_36 : vector<512x200xf32>
    %mul3A_38 = arith.mulf %sub3A_37, %sub3A_37 : vector<512x200xf32>
    %mul3A_39 = arith.constant -59.5802803 : f32
    %mul3A_40 = vector.broadcast %mul3A_39 : f32 to vector<512x200xf32>
    %mul3A_41 = arith.mulf %mul3A_40, %mul3A_38 : vector<512x200xf32>
    %add3A_42 = arith.constant 61.107296 : f32
    %add3A_43 = vector.broadcast %add3A_42 : f32 to vector<512x200xf32>
    %add3A_44 = arith.addf %mul3A_41, %add3A_43 : vector<512x200xf32>
    %mul3A_45 = arith.mulf %add3A_44, %mul3A_38 : vector<512x200xf32>
    %add3A_46 = arith.constant -19.5527344 : f32
    %add3A_47 = vector.broadcast %add3A_46 : f32 to vector<512x200xf32>
    %add3A_48 = arith.addf %mul3A_45, %add3A_47 : vector<512x200xf32>
    %mul3A_49 = arith.mulf %add3A_48, %mul3A_38 : vector<512x200xf32>
    %add3A_50 = arith.constant 0.998566806 : f32
    %add3A_51 = vector.broadcast %add3A_50 : f32 to vector<512x200xf32>
    %add3A_52 = arith.addf %mul3A_49, %add3A_51 : vector<512x200xf32>
    %mul3A_53 = vector.broadcast %slice3A_31 : vector<512x1xf32> to vector<512x200xf32>
    %mul3A_54 = arith.mulf %mul3A_53, %add3A_52 : vector<512x200xf32>
    %add3A_55 = arith.addf %add3A_28, %mul3A_54 : vector<512x200xf32>
    %slice3A_56 = vector.extract_strided_slice %get3A_4 {offsets = [0, 2], sizes = [512, 1], strides = [1, 1]} : vector<512x128xf32> to vector<512x1xf32>
    %slice3A_57 = vector.extract_strided_slice %get3A_4 {offsets = [0, 10], sizes = [512, 1], strides = [1, 1]} : vector<512x128xf32> to vector<512x1xf32>
    %slice3A_58 = vector.extract_strided_slice %get3A_4 {offsets = [0, 18], sizes = [512, 1], strides = [1, 1]} : vector<512x128xf32> to vector<512x1xf32>
    %mul3A_59 = vector.broadcast %slice3A_56 : vector<512x1xf32> to vector<512x200xf32>
    %mul3A_60 = arith.mulf %get3A_1, %mul3A_59 : vector<512x200xf32>
    %add3A_61 = vector.broadcast %slice3A_57 : vector<512x1xf32> to vector<512x200xf32>
    %add3A_62 = arith.addf %mul3A_60, %add3A_61 : vector<512x200xf32>
    %round3A_63 = math.roundeven %add3A_62 : vector<512x200xf32>
    %sub3A_64 = arith.subf %add3A_62, %round3A_63 : vector<512x200xf32>
    %mul3A_65 = arith.mulf %sub3A_64, %sub3A_64 : vector<512x200xf32>
    %mul3A_66 = arith.constant -59.5802803 : f32
    %mul3A_67 = vector.broadcast %mul3A_66 : f32 to vector<512x200xf32>
    %mul3A_68 = arith.mulf %mul3A_67, %mul3A_65 : vector<512x200xf32>
    %add3A_69 = arith.constant 61.107296 : f32
    %add3A_70 = vector.broadcast %add3A_69 : f32 to vector<512x200xf32>
    %add3A_71 = arith.addf %mul3A_68, %add3A_70 : vector<512x200xf32>
    %mul3A_72 = arith.mulf %add3A_71, %mul3A_65 : vector<512x200xf32>
    %add3A_73 = arith.constant -19.5527344 : f32
    %add3A_74 = vector.broadcast %add3A_73 : f32 to vector<512x200xf32>
    %add3A_75 = arith.addf %mul3A_72, %add3A_74 : vector<512x200xf32>
    %mul3A_76 = arith.mulf %add3A_75, %mul3A_65 : vector<512x200xf32>
    %add3A_77 = arith.constant 0.998566806 : f32
    %add3A_78 = vector.broadcast %add3A_77 : f32 to vector<512x200xf32>
    %add3A_79 = arith.addf %mul3A_76, %add3A_78 : vector<512x200xf32>
    %mul3A_80 = vector.broadcast %slice3A_58 : vector<512x1xf32> to vector<512x200xf32>
    %mul3A_81 = arith.mulf %mul3A_80, %add3A_79 : vector<512x200xf32>
    %add3A_82 = arith.addf %add3A_55, %mul3A_81 : vector<512x200xf32>
    %slice3A_83 = vector.extract_strided_slice %get3A_4 {offsets = [0, 3], sizes = [512, 1], strides = [1, 1]} : vector<512x128xf32> to vector<512x1xf32>
    %slice3A_84 = vector.extract_strided_slice %get3A_4 {offsets = [0, 11], sizes = [512, 1], strides = [1, 1]} : vector<512x128xf32> to vector<512x1xf32>
    %slice3A_85 = vector.extract_strided_slice %get3A_4 {offsets = [0, 19], sizes = [512, 1], strides = [1, 1]} : vector<512x128xf32> to vector<512x1xf32>
    %mul3A_86 = vector.broadcast %slice3A_83 : vector<512x1xf32> to vector<512x200xf32>
    %mul3A_87 = arith.mulf %get3A_1, %mul3A_86 : vector<512x200xf32>
    %add3A_88 = vector.broadcast %slice3A_84 : vector<512x1xf32> to vector<512x200xf32>
    %add3A_89 = arith.addf %mul3A_87, %add3A_88 : vector<512x200xf32>
    %round3A_90 = math.roundeven %add3A_89 : vector<512x200xf32>
    %sub3A_91 = arith.subf %add3A_89, %round3A_90 : vector<512x200xf32>
    %mul3A_92 = arith.mulf %sub3A_91, %sub3A_91 : vector<512x200xf32>
    %mul3A_93 = arith.constant -59.5802803 : f32
    %mul3A_94 = vector.broadcast %mul3A_93 : f32 to vector<512x200xf32>
    %mul3A_95 = arith.mulf %mul3A_94, %mul3A_92 : vector<512x200xf32>
    %add3A_96 = arith.constant 61.107296 : f32
    %add3A_97 = vector.broadcast %add3A_96 : f32 to vector<512x200xf32>
    %add3A_98 = arith.addf %mul3A_95, %add3A_97 : vector<512x200xf32>
    %mul3A_99 = arith.mulf %add3A_98, %mul3A_92 : vector<512x200xf32>
    %add3A_100 = arith.constant -19.5527344 : f32
    %add3A_101 = vector.broadcast %add3A_100 : f32 to vector<512x200xf32>
    %add3A_102 = arith.addf %mul3A_99, %add3A_101 : vector<512x200xf32>
    %mul3A_103 = arith.mulf %add3A_102, %mul3A_92 : vector<512x200xf32>
    %add3A_104 = arith.constant 0.998566806 : f32
    %add3A_105 = vector.broadcast %add3A_104 : f32 to vector<512x200xf32>
    %add3A_106 = arith.addf %mul3A_103, %add3A_105 : vector<512x200xf32>
    %mul3A_107 = vector.broadcast %slice3A_85 : vector<512x1xf32> to vector<512x200xf32>
    %mul3A_108 = arith.mulf %mul3A_107, %add3A_106 : vector<512x200xf32>
    %add3A_109 = arith.addf %add3A_82, %mul3A_108 : vector<512x200xf32>
    %slice3A_110 = vector.extract_strided_slice %get3A_4 {offsets = [0, 4], sizes = [512, 1], strides = [1, 1]} : vector<512x128xf32> to vector<512x1xf32>
    %slice3A_111 = vector.extract_strided_slice %get3A_4 {offsets = [0, 12], sizes = [512, 1], strides = [1, 1]} : vector<512x128xf32> to vector<512x1xf32>
    %slice3A_112 = vector.extract_strided_slice %get3A_4 {offsets = [0, 20], sizes = [512, 1], strides = [1, 1]} : vector<512x128xf32> to vector<512x1xf32>
    %mul3A_113 = vector.broadcast %slice3A_110 : vector<512x1xf32> to vector<512x200xf32>
    %mul3A_114 = arith.mulf %get3A_1, %mul3A_113 : vector<512x200xf32>
    %add3A_115 = vector.broadcast %slice3A_111 : vector<512x1xf32> to vector<512x200xf32>
    %add3A_116 = arith.addf %mul3A_114, %add3A_115 : vector<512x200xf32>
    %round3A_117 = math.roundeven %add3A_116 : vector<512x200xf32>
    %sub3A_118 = arith.subf %add3A_116, %round3A_117 : vector<512x200xf32>
    %mul3A_119 = arith.mulf %sub3A_118, %sub3A_118 : vector<512x200xf32>
    %mul3A_120 = arith.constant -59.5802803 : f32
    %mul3A_121 = vector.broadcast %mul3A_120 : f32 to vector<512x200xf32>
    %mul3A_122 = arith.mulf %mul3A_121, %mul3A_119 : vector<512x200xf32>
    %add3A_123 = arith.constant 61.107296 : f32
    %add3A_124 = vector.broadcast %add3A_123 : f32 to vector<512x200xf32>
    %add3A_125 = arith.addf %mul3A_122, %add3A_124 : vector<512x200xf32>
    %mul3A_126 = arith.mulf %add3A_125, %mul3A_119 : vector<512x200xf32>
    %add3A_127 = arith.constant -19.5527344 : f32
    %add3A_128 = vector.broadcast %add3A_127 : f32 to vector<512x200xf32>
    %add3A_129 = arith.addf %mul3A_126, %add3A_128 : vector<512x200xf32>
    %mul3A_130 = arith.mulf %add3A_129, %mul3A_119 : vector<512x200xf32>
    %add3A_131 = arith.constant 0.998566806 : f32
    %add3A_132 = vector.broadcast %add3A_131 : f32 to vector<512x200xf32>
    %add3A_133 = arith.addf %mul3A_130, %add3A_132 : vector<512x200xf32>
    %mul3A_134 = vector.broadcast %slice3A_112 : vector<512x1xf32> to vector<512x200xf32>
    %mul3A_135 = arith.mulf %mul3A_134, %add3A_133 : vector<512x200xf32>
    %add3A_136 = arith.addf %add3A_109, %mul3A_135 : vector<512x200xf32>
    %slice3A_137 = vector.extract_strided_slice %get3A_4 {offsets = [0, 5], sizes = [512, 1], strides = [1, 1]} : vector<512x128xf32> to vector<512x1xf32>
    %slice3A_138 = vector.extract_strided_slice %get3A_4 {offsets = [0, 13], sizes = [512, 1], strides = [1, 1]} : vector<512x128xf32> to vector<512x1xf32>
    %slice3A_139 = vector.extract_strided_slice %get3A_4 {offsets = [0, 21], sizes = [512, 1], strides = [1, 1]} : vector<512x128xf32> to vector<512x1xf32>
    %mul3A_140 = vector.broadcast %slice3A_137 : vector<512x1xf32> to vector<512x200xf32>
    %mul3A_141 = arith.mulf %get3A_1, %mul3A_140 : vector<512x200xf32>
    %add3A_142 = vector.broadcast %slice3A_138 : vector<512x1xf32> to vector<512x200xf32>
    %add3A_143 = arith.addf %mul3A_141, %add3A_142 : vector<512x200xf32>
    %round3A_144 = math.roundeven %add3A_143 : vector<512x200xf32>
    %sub3A_145 = arith.subf %add3A_143, %round3A_144 : vector<512x200xf32>
    %mul3A_146 = arith.mulf %sub3A_145, %sub3A_145 : vector<512x200xf32>
    %mul3A_147 = arith.constant -59.5802803 : f32
    %mul3A_148 = vector.broadcast %mul3A_147 : f32 to vector<512x200xf32>
    %mul3A_149 = arith.mulf %mul3A_148, %mul3A_146 : vector<512x200xf32>
    %add3A_150 = arith.constant 61.107296 : f32
    %add3A_151 = vector.broadcast %add3A_150 : f32 to vector<512x200xf32>
    %add3A_152 = arith.addf %mul3A_149, %add3A_151 : vector<512x200xf32>
    %mul3A_153 = arith.mulf %add3A_152, %mul3A_146 : vector<512x200xf32>
    %add3A_154 = arith.constant -19.5527344 : f32
    %add3A_155 = vector.broadcast %add3A_154 : f32 to vector<512x200xf32>
    %add3A_156 = arith.addf %mul3A_153, %add3A_155 : vector<512x200xf32>
    %mul3A_157 = arith.mulf %add3A_156, %mul3A_146 : vector<512x200xf32>
    %add3A_158 = arith.constant 0.998566806 : f32
    %add3A_159 = vector.broadcast %add3A_158 : f32 to vector<512x200xf32>
    %add3A_160 = arith.addf %mul3A_157, %add3A_159 : vector<512x200xf32>
    %mul3A_161 = vector.broadcast %slice3A_139 : vector<512x1xf32> to vector<512x200xf32>
    %mul3A_162 = arith.mulf %mul3A_161, %add3A_160 : vector<512x200xf32>
    %add3A_163 = arith.addf %add3A_136, %mul3A_162 : vector<512x200xf32>
    %slice3A_164 = vector.extract_strided_slice %get3A_4 {offsets = [0, 6], sizes = [512, 1], strides = [1, 1]} : vector<512x128xf32> to vector<512x1xf32>
    %slice3A_165 = vector.extract_strided_slice %get3A_4 {offsets = [0, 14], sizes = [512, 1], strides = [1, 1]} : vector<512x128xf32> to vector<512x1xf32>
    %slice3A_166 = vector.extract_strided_slice %get3A_4 {offsets = [0, 22], sizes = [512, 1], strides = [1, 1]} : vector<512x128xf32> to vector<512x1xf32>
    %mul3A_167 = vector.broadcast %slice3A_164 : vector<512x1xf32> to vector<512x200xf32>
    %mul3A_168 = arith.mulf %get3A_1, %mul3A_167 : vector<512x200xf32>
    %add3A_169 = vector.broadcast %slice3A_165 : vector<512x1xf32> to vector<512x200xf32>
    %add3A_170 = arith.addf %mul3A_168, %add3A_169 : vector<512x200xf32>
    %round3A_171 = math.roundeven %add3A_170 : vector<512x200xf32>
    %sub3A_172 = arith.subf %add3A_170, %round3A_171 : vector<512x200xf32>
    %mul3A_173 = arith.mulf %sub3A_172, %sub3A_172 : vector<512x200xf32>
    %mul3A_174 = arith.constant -59.5802803 : f32
    %mul3A_175 = vector.broadcast %mul3A_174 : f32 to vector<512x200xf32>
    %mul3A_176 = arith.mulf %mul3A_175, %mul3A_173 : vector<512x200xf32>
    %add3A_177 = arith.constant 61.107296 : f32
    %add3A_178 = vector.broadcast %add3A_177 : f32 to vector<512x200xf32>
    %add3A_179 = arith.addf %mul3A_176, %add3A_178 : vector<512x200xf32>
    %mul3A_180 = arith.mulf %add3A_179, %mul3A_173 : vector<512x200xf32>
    %add3A_181 = arith.constant -19.5527344 : f32
    %add3A_182 = vector.broadcast %add3A_181 : f32 to vector<512x200xf32>
    %add3A_183 = arith.addf %mul3A_180, %add3A_182 : vector<512x200xf32>
    %mul3A_184 = arith.mulf %add3A_183, %mul3A_173 : vector<512x200xf32>
    %add3A_185 = arith.constant 0.998566806 : f32
    %add3A_186 = vector.broadcast %add3A_185 : f32 to vector<512x200xf32>
    %add3A_187 = arith.addf %mul3A_184, %add3A_186 : vector<512x200xf32>
    %mul3A_188 = vector.broadcast %slice3A_166 : vector<512x1xf32> to vector<512x200xf32>
    %mul3A_189 = arith.mulf %mul3A_188, %add3A_187 : vector<512x200xf32>
    %add3A_190 = arith.addf %add3A_163, %mul3A_189 : vector<512x200xf32>
    %slice3A_191 = vector.extract_strided_slice %get3A_4 {offsets = [0, 7], sizes = [512, 1], strides = [1, 1]} : vector<512x128xf32> to vector<512x1xf32>
    %slice3A_192 = vector.extract_strided_slice %get3A_4 {offsets = [0, 15], sizes = [512, 1], strides = [1, 1]} : vector<512x128xf32> to vector<512x1xf32>
    %slice3A_193 = vector.extract_strided_slice %get3A_4 {offsets = [0, 23], sizes = [512, 1], strides = [1, 1]} : vector<512x128xf32> to vector<512x1xf32>
    %mul3A_194 = vector.broadcast %slice3A_191 : vector<512x1xf32> to vector<512x200xf32>
    %mul3A_195 = arith.mulf %get3A_1, %mul3A_194 : vector<512x200xf32>
    %add3A_196 = vector.broadcast %slice3A_192 : vector<512x1xf32> to vector<512x200xf32>
    %add3A_197 = arith.addf %mul3A_195, %add3A_196 : vector<512x200xf32>
    %round3A_198 = math.roundeven %add3A_197 : vector<512x200xf32>
    %sub3A_199 = arith.subf %add3A_197, %round3A_198 : vector<512x200xf32>
    %mul3A_200 = arith.mulf %sub3A_199, %sub3A_199 : vector<512x200xf32>
    %mul3A_201 = arith.constant -59.5802803 : f32
    %mul3A_202 = vector.broadcast %mul3A_201 : f32 to vector<512x200xf32>
    %mul3A_203 = arith.mulf %mul3A_202, %mul3A_200 : vector<512x200xf32>
    %add3A_204 = arith.constant 61.107296 : f32
    %add3A_205 = vector.broadcast %add3A_204 : f32 to vector<512x200xf32>
    %add3A_206 = arith.addf %mul3A_203, %add3A_205 : vector<512x200xf32>
    %mul3A_207 = arith.mulf %add3A_206, %mul3A_200 : vector<512x200xf32>
    %add3A_208 = arith.constant -19.5527344 : f32
    %add3A_209 = vector.broadcast %add3A_208 : f32 to vector<512x200xf32>
    %add3A_210 = arith.addf %mul3A_207, %add3A_209 : vector<512x200xf32>
    %mul3A_211 = arith.mulf %add3A_210, %mul3A_200 : vector<512x200xf32>
    %add3A_212 = arith.constant 0.998566806 : f32
    %add3A_213 = vector.broadcast %add3A_212 : f32 to vector<512x200xf32>
    %add3A_214 = arith.addf %mul3A_211, %add3A_213 : vector<512x200xf32>
    %mul3A_215 = vector.broadcast %slice3A_193 : vector<512x1xf32> to vector<512x200xf32>
    %mul3A_216 = arith.mulf %mul3A_215, %add3A_214 : vector<512x200xf32>
    %add3A_217 = arith.addf %add3A_190, %mul3A_216 : vector<512x200xf32>
    %swap3A = arith.constant 0 : index
    %swap3A_218 = arith.constant 0 : index
    %swap3A_219 = vector.load %arg3[%swap3A, %swap3A_218] : memref<512x200xf32, #tpu.memory_space<vmem>>, vector<512x200xf32>
    tpu.vector_store %arg3[%swap3A, %swap3A_218], %add3A_217 {strides = array<i32>} : memref<512x200xf32, #tpu.memory_space<vmem>>, vector<512x200xf32>,
    return
  }
  func.func @transform_0(%arg0: i32) -> (i32, i32) {
    %c0_i32 = arith.constant 0 : i32
    %c0_i32_0 = arith.constant 0 : i32
    return %arg0, %c0_i32 : i32, i32
  }
  func.func @transform_1(%arg0: i32) -> (i32, i32) {
    %c0_i32 = arith.constant 0 : i32
    %c0_i32_0 = arith.constant 0 : i32
    return %arg0, %c0_i32 : i32, i32
  }
  func.func @transform_2(%arg0: i32) -> (i32, i32) {
    %c0_i32 = arith.constant 0 : i32
    %c0_i32_0 = arith.constant 0 : i32
    return %arg0, %c0_i32 : i32, i32
  }
}

</mosaic_0001>

<sc_bundles>
// kernel: kernel.4.cloned.1.call-start
scs
__scs_entry_jumppad:
0x0: {  	(pc) =	sbr.rel $0x88, $3  }
0x1: {  	(tag) =	ssettag $0x0;
	lr =	simm.s32 $0x1  }
0x2: {  	[smem:$0x3F9B] =	sst lr;
	_ =	strace $0xD0000000  }
0x3: {  	_ = 	snop  }
0x4: {  	_ = 	snop  }
0x5: {  	_ = 	snop  }
0x6: {  	_ = 	snop  }
0x7: {  	_ = 	snop  }
__scs_overlays_trampoline_lowered:
0x8: {  	[smem:$0x3FAA] =	sst s0  }
0x9: {  	[smem:$0x3FAB] =	sst s1  }
0xa: {  	[smem:$0x3FAC] =	sst s2  }
0xb: {  	[smem:$0x3FAD] =	sst s3  }
0xc: {  	[smem:$0x3FAE] =	sst s4  }
0xd: {  	[smem:$0x3FAF] =	sst s5  }
0xe: {  	[smem:$0x3FB0] =	sst s6  }
0xf: {  	[smem:$0x3FB1] =	sst s7  }
0x10: {  	[smem:$0x3FB2] =	sst s8  }
0x11: {  	[smem:$0x3FB3] =	sst s9;
	s0 =	simm.s32 @!p0 $0x0  }
0x12: {  	s1 =	sld [smem:$0x3F99];
	s0 =	simm.s32 @p0 $0x1  }
0x13: {  	[smem:$0x3FB4] =	sst s0;
	s0 =	simm.s32 @!p1 $0x0  }
0x14: {  	s2 =	sld [smem:$0x3F98];
	s0 =	simm.s32 @p1 $0x1  }
0x15: {  	[smem:$0x3FB5] =	sst s0;
	s0 =	simm.s32 @!p2 $0x0  }
0x16: {  	s3 =	sld [smem:$0x3FDB];
	s0 =	simm.s32 @p2 $0x1  }
0x17: {  	s4 =	simm.s32 $0x1BF5;
	[smem:$0x3FB7] =	sst s0  }
0x18: {  	s0 =	sld [smem:$0x3F9A];
	_ =	swait.ge [sflag:s4], $0x0  }
0x19: {  	s7 =	sld [smem:$0x3F9B]  }
0x1a: {  	s8 =	sadd.s32 $0xFFFFE003, lr  }
0x1b: {  	s9 =	sadd.s32 $0xFFFFFEF7, lr;
	s5 =	simm.s32 $0xFFFFFFFF;
	p2 =	slt.u32 s8, $0xFFFFF086  }
0x1c: {  	p1 =	slt.u32 s9, $0xF7A;
	s5 =	simm.s32 @!p2 $0x0  }
0x1d: {  	s5 =	simm.s32 @p1 $0x1;
	p0 =	seq.s32 s7, s2  }
0x1e: {  	s7 =	smul.u32 @!p0 $0xF7A, s2;
	p2 =	seq.s32 @!p0 s5, $0x0  }
0x1f: {  	s9 =	smul.u32 $0xF7A, s1;
	s8 =	simm.s32 @!p0 $0x1BF5;
	p2 =	por !p2, p0  }
0x20: {  	[sflag:s8] =	ssyncset.s32 @!p0 $0xFFFFF086;
	s6 =	sadd.s32 @!p0 s3, s7;
	s7 =	simm.s32 @!p0 $0x108  }
0x21: {  	s3 =	sadd.s32 s3, s9;
	s6 =	sadd.s32 @!p0 $0x88, s6;
	s7 =	simm.s32 @p2 $0x1082  }
0x22: {  	[simem:s7], [sflag:s8] =	dma.local @!p0 [hbm:s6], $0xF7A  }
0x23: {  	s9 =	sor.u32 $0xD0000000, s2;
	s6 =	simm.s32 $0x108;
	_ =	swait.ge @!p0 [sflag:s8], $0x0  }
0x24: {  	s3 =	sadd.s32 $0x88, s3;
	s6 =	simm.s32 @!p1 $0x1082;
	[sflag:s4] =	ssyncset.s32 $0xFFFFF086  }
0x25: {  	[simem:s6], [sflag:s4] =	dma.local [hbm:s3], $0xF7A  }
0x26: {  	[smem:$0x3F9B] =	sst s1;
	(tag) =	ssettag s2;
	_ =	strace s9  }
0x27: {  	s1 =	sld [smem:$0x3FAB]  }
0x28: {  	s2 =	sld [smem:$0x3FAC]  }
0x29: {  	s4 =	sld [smem:$0x3FAE]  }
0x2a: {  	p0 =	seq.s32 s5, $0x0;
	s5 =	sld [smem:$0x3FAF]  }
0x2b: {  	s6 =	sld [smem:$0x3FB0]  }
0x2c: {  	s7 =	sld [smem:$0x3FB1]  }
0x2d: {  	s3 =	simm.s32 $0x108;
	s8 =	sld [smem:$0x3FB2]  }
0x2e: {  	s3 =	simm.s32 @!p0 $0x1082;
	s9 =	sld [smem:$0x3FB3]  }
0x2f: {  	lr =	sadd.s32 s0, s3;
	s0 =	sld [smem:$0x3FAA]  }
0x30: {  	s3 =	sld [smem:$0x3FAD]  }
0x31: {  	[smem:$0x3FB6] =	sst s10  }
0x32: {  	s10 =	sld [smem:$0x3FB4];
	_ =	sdelay $0x3  }
0x33: {  	p0 =	seq.s32 s10, $0x1;
	s10 =	sld [smem:$0x3FB6];
	_ =	sdelay $0x3  }
0x34: {  	[smem:$0x3FB6] =	sst s10  }
0x35: {  	s10 =	sld [smem:$0x3FB5];
	_ =	sdelay $0x3  }
0x36: {  	p1 =	seq.s32 s10, $0x1;
	s10 =	sld [smem:$0x3FB6];
	_ =	sdelay $0x3  }
0x37: {  	[smem:$0x3FB6] =	sst s10  }
0x38: {  	s10 =	sld [smem:$0x3FB7]  }
0x39: {  	_ = 	snop;
	(pc) =	sbr.ind lr, $3  }
0x3a: {  	_ = 	snop  }
0x3b: {  	_ = 	snop  }
0x3c: {  	p2 =	seq.s32 s10, $0x1;
	s10 =	sld [smem:$0x3FB6]  }
0x3d: {  	_ =	shalt  }
0x3e: {  	_ =	shalt  }
0x3f: {  	_ =	shalt  }
0x40: {  	_ =	shalt  }
0x41: {  	_ =	shalt  }
0x42: {  	_ =	shalt  }
0x43: {  	_ =	shalt  }
0x44: {  	_ =	shalt  }
0x45: {  	_ =	shalt  }
0x46: {  	_ =	shalt  }
0x47: {  	_ =	shalt  }
0x48: {  	_ =	shalt  }
0x49: {  	_ =	shalt  }
0x4a: {  	_ =	shalt  }
0x4b: {  	_ =	shalt  }
0x4c: {  	_ =	shalt  }
0x4d: {  	_ =	shalt  }
0x4e: {  	_ =	shalt  }
0x4f: {  	_ =	shalt  }
0x50: {  	_ =	shalt  }
0x51: {  	_ =	shalt  }
0x52: {  	_ =	shalt  }
0x53: {  	_ =	shalt  }
0x54: {  	_ =	shalt  }
0x55: {  	_ =	shalt  }
0x56: {  	_ =	shalt  }
0x57: {  	_ =	shalt  }
0x58: {  	_ =	shalt  }
0x59: {  	_ =	shalt  }
0x5a: {  	_ =	shalt  }
0x5b: {  	_ =	shalt  }
0x5c: {  	_ =	shalt  }
0x5d: {  	_ =	shalt  }
0x5e: {  	_ =	shalt  }
0x5f: {  	_ =	shalt  }
0x60: {  	_ =	shalt  }
0x61: {  	_ =	shalt  }
0x62: {  	_ =	shalt  }
0x63: {  	_ =	shalt  }
0x64: {  	_ =	shalt  }
0x65: {  	_ =	shalt  }
0x66: {  	_ =	shalt  }
0x67: {  	_ =	shalt  }
0x68: {  	_ =	shalt  }
0x69: {  	_ =	shalt  }
0x6a: {  	_ =	shalt  }
0x6b: {  	_ =	shalt  }
0x6c: {  	_ =	shalt  }
0x6d: {  	_ =	shalt  }
0x6e: {  	_ =	shalt  }
0x6f: {  	_ =	shalt  }
0x70: {  	_ =	shalt  }
0x71: {  	_ =	shalt  }
0x72: {  	_ =	shalt  }
0x73: {  	_ =	shalt  }
0x74: {  	_ =	shalt  }
0x75: {  	_ =	shalt  }
0x76: {  	_ =	shalt  }
0x77: {  	_ =	shalt  }
0x78: {  	_ =	shalt  }
0x79: {  	_ =	shalt  }
0x7a: {  	_ =	shalt  }
0x7b: {  	_ =	shalt  }
0x7c: {  	_ =	shalt  }
0x7d: {  	_ =	shalt  }
0x7e: {  	_ =	shalt  }
0x7f: {  	_ =	shalt  }
0x80: {  	_ =	shalt  }
0x81: {  	_ =	shalt  }
0x82: {  	_ =	shalt  }
0x83: {  	_ =	shalt  }
0x84: {  	_ =	shalt  }
0x85: {  	_ =	shalt  }
0x86: {  	_ =	shalt  }
0x87: {  	_ =	shalt  }
.Lfunc_end0:
.L_simem_size_0:
called_computation_lowered:
.L_overlay_start_0:
0x88: {  	s2 =	sld [smem:$0x3FD9]  }
0x89: {  	s3 =	sld [smem:$0x3FFE];
	_ =	sdelay $0x1  }
0x8a: {  	s1 =	srdreg.scid  }
0x8b: {  	s0 =	sand.u32 $0x1, s1  }
0x8c: {  	s17 =	sshll.u32 s0, $0xA;
	s2 =	sadd.s32 s3, s2  }
0x8d: {  	s2 =	sadd.s32 s2, s17  }
0x8e: {  	[smem:$0x3FC2] =	sst s2  }
0x8f: {  	_ = 	snop  }
0x90: {  	s2 =	sld [smem:$0x3FC8]  }
0x91: {  	s18 =	sld [smem:$0x3FD0];
	(tm) =	ssettm $0x1  }
0x92: {  	s4 =	sld [smem:$0x3FFB];
	_ =	sdelay $0x3  }
0x93: {  	_ =	strace s4  }
0x94: {  	s4 =	sld [smem:$0x3FFC];
	_ =	sdelay $0x3  }
0x95: {  	_ =	strace s4  }
0x96: {  	s4 =	sld [smem:$0x3FFD];
	_ =	sdelay $0x3  }
0x97: {  	_ =	strace s4  }
0x98: {  	_ =	strace $0x8FFFFFFF  }
0x99: {  	s19 =	sld [smem:$0x3FDB];
	_ =	sdelay $0x1  }
0x9a: {  	s5 =	simm.s32 $_scs_section_size  }
0x9b: {  	s6 =	simm.s32 $_size__tile_overlayer_lowered;
	s7 =	simm.s32 $_tile_overlayer_lowered  }
0x9c: {  	s22 =	simm.s32 $0x1BFF;
	s21 =	sshll.u32 s7, $0x1;
	s4 =	sadd.s32 s5, s19  }
0x9d: {  	s8 =	simm.s32 $0x0;
	s20 =	sshll.u32 s6, $0x1;
	s6 =	sadd.s32 s21, s4  }
0x9e: {  	[timem:s8], [sflag:s22] =	dma.local [hbm:s6], s20  }
0x9f: {  	_ =	swait.ge [sflag:s22], s20  }
0xa0: {  	s5 =	ssub.s32 $0x0, s20;
	[sflag:s22] =	ssyncset.done $0x0  }
0xa1: {  	[sflag:s22] =	ssyncadd.s32 s5;
	_ =	sdelay $0x1  }
0xa2: {  	s23 =	simm.s32 $0x1B8B  }
0xa3: {  	_ =	swait.ge [sflag:s23], $0x1  }
0xa4: {  	[sflag:s23] =	ssyncset.done $0x0  }
0xa5: {  	s25 =	simm.s32 $0x1B8E;
	s24 =	sld [smem:$0x3FFE];
	[sflag:s23] =	ssyncadd.s32 $0xFFFFFFFF  }
0xa6: {  	s26 =	simm.s32 $execute0_lowered;
	[smem:$0x3FD2] =	sst s25  }
0xa7: {  	s6 =	sshll.u32 s26, $0x1;
	_ =	strace $0x80000046;
	[dreg:$0x1] =	wrdreg $0xFFFFFFFF  }
0xa8: {  	s28 =	simm.s32 $_size_execute0_lowered;
	s4 =	sadd.s32 s4, s6;
	[dreg:$0x0] =	wrdreg $0x0  }
0xa9: {  	s6 =	sshll.u32 s28, $0x1;
	[dreg:$0x2] =	wrdreg s4  }
0xaa: {  	[dreg:$0x3] =	wrdreg s6  }
0xab: {  	[dreg:$0x4] =	wrdreg $0xC0  }
0xac: {  	_ =	task [dreg:s8], $0x5FFFF  }
0xad: {  	[dreg:$0x1] =	wrdreg $0xFFFFFFFF  }
0xae: {  	[dreg:$0x0] =	wrdreg $0x60  }
0xaf: {  	[dreg:$0x2] =	wrdreg s24  }
0xb0: {  	[dreg:$0x3] =	wrdreg s2  }
0xb1: {  	[dreg:$0x4] =	wrdreg s18  }
0xb2: {  	[dreg:$0x5] =	wrdreg $0x9  }
0xb3: {  	_ =	task.clear_ibuf [dreg:s8], $0x6FFFF;
	_ =	strace $0x90000046  }
0xb4: {  	s29 =	simm.s32 $0x9;
	_ =	strace $0x80000048  }
0xb5: {  	_ =	swait.ge [sflag:s29], $0x1  }
0xb6: {  	[sflag:s29] =	ssyncadd.s32 $0xFFFFFFFF  }
0xb7: {  	_ =	strace $0x90000048  }
0xb8: {  	_ =	sfence  }
0xb9: {  	s30 =	sld [smem:$0x0];
	_ =	sdelay $0x2  }
0xba: {  	s31 =	sshll.u32 s1, $0xD;
	s1 =	sshrl.u32 s1, $0x2  }
0xbb: {  	s3 =	sand.u32 $0x4000, s31;
	s1 =	sadd.s32 s1, s30  }
0xbc: {  	s0 =	sor.u32 s3, s0;
	s1 =	sshll.u32 s1, $0x11  }
0xbd: {  	s0 =	sor.u32 s1, s0  }
0xbe: {  	s0 =	sadd.s32 $0x8F2B, s0  }
0xbf: {  	[sflag:s0] =	ssyncadd.remote.s32 $0x1  }
0xc0: {  	_ =	sfence.sel $0xFFFF  }
0xc1: {  	[dreg:$0x0] =	wrdreg $0xFFFFFFFF;
	(pc) =	sbr.abs _section_cstart, $3  }
0xc2: {  	[dreg:$0x1] =	wrdreg $0xFFFFFFFF  }
0xc3: {  	_ =	task.clear_ibuf [dreg:s8], $0x2FFFF;
	_ =	strace $0x9FFFFFFF  }
0xc4: {  	(tm) =	ssettm $0x7FFFFFFF  }
0xc5: {  	_ =	shalt  }
tec
execute0_lowered:
.L_overlay_start_1:
0x0: {  	(tag) =	ssettag $0x1  }
0x1: {  	s5 =	rddreg [dreg:$0x0]  }
0x2: {  	s1 =	srdreg.scid;
	s3 =	rddreg [dreg:$0x1]  }
0x3: {  	s0 =	stileid.u32;
	s8 =	rddreg [dreg:$0x2];
	s6 =	sand.u32 $0x1, s1  }
0x4: {  	s2 =	simm.s32 $0x0;
	s4 =	sshll.u32 s0, $0x8;
	s7 =	sshll.u32 s6, $0x7  }
0x5: {  	[smem:$0x7FF] =	sst s2;
	s9 =	sor.u32 s7, s4  }
0x6: {  	s1 =	rddreg [dreg:$0x3];
	_ =	strace $0x80000047;
	s4 =	sshrl.u32 s9, $0x3  }
0x7: {  	s10 =	ssub.s32 $0x2, s6;
	s4 =	sadd.s32 s3, s4;
	s3 =	simm.s32 $0x2  }
0x8: {  	[tilespmem:s2], [sflag:$0x2] =	stream.linear.gather [hbm4b:s4+s2], $0x80, $0x38;
	[tilespmem:$0x4080] =	vst v63  }
0x9: {  	s5 =	sadd.s32 $0x800, s5;
	s11 =	sshrl.u32 s10, $0x1;
	_ =	swait.ge [sflag:s3], $0x80  }
0xa: {  	s6 =	simm.s32 $0x80;
	s10 =	ssub.s32 s10, s11;
	[sflag:s3] =	ssyncset.done $0x0  }
0xb: {  	s7 =	simm.s32 $0x1;
	s31 =	smax.u32 s10, $0x1;
	[sflag:s3] =	ssyncadd.s32 $0xFFFFFF80  }
0xc: {  	[tilespmem:s6], [sflag:$0x1] =	stream.indirect.gather [hbm4b:s5+s6], $0x80, s2, s6, $0xb8;
	[tilespmem:$0x4080] =	vst v63  }
0xd: {  	p0 =	sne.s32 s31, $0x1;
	_ =	swait.ge [sflag:s7], $0x4000  }
.Ltmp0:
0xe: {  	s9 =	sshll.u32 s9, $0x4;
	[sflag:s7] =	ssyncset.done $0x0;
	(pc) =	sbr.rel @!p0 .LBB2_2-.Ltmp0, $4  }
0xf: {  	s8 =	sadd.s32 s8, s9;
	[sflag:s7] =	ssyncadd.s32 $0xFFFFC000  }
0x10: {  	[hbm4b:s8+s2] =	stream.linear.scatter [tilespmem:s6], [sflag:$0x2], $0x4000, $0x38;
	[tilespmem:$0x4080] =	vst v63  }
0x11: {  	_ =	swait.ge [sflag:s3], $0x4000  }
0x12: {  	s9 =	sadd.s32 $0xFFFFFFFF, s31;
	[sflag:s3] =	ssyncset.done $0x0  }
.LBB2_1:
0x13: {  	p0 =	sne.s32 s9, $0x1;
	s9 =	sadd.s32 $0xFFFFFFFF, s9;
	[sflag:s3] =	ssyncadd.s32 $0xFFFFC000  }
0x14: {  	[tilespmem:s2], [sflag:$0x2] =	stream.linear.gather [hbm4b:s4+s2], $0x80, $0x38;
	[tilespmem:$0x4080] =	vst v63  }
0x15: {  	_ =	swait.ge [sflag:s3], $0x80  }
0x16: {  	[sflag:s3] =	ssyncset.done $0x0  }
0x17: {  	[sflag:s3] =	ssyncadd.s32 $0xFFFFFF80  }
0x18: {  	[tilespmem:s6], [sflag:$0x1] =	stream.indirect.gather [hbm4b:s5+s6], $0x80, s2, s6, $0xb8;
	[tilespmem:$0x4080] =	vst v63  }
0x19: {  	_ =	swait.ge [sflag:s7], $0x4000  }
.Ltmp1:
0x1a: {  	[sflag:s7] =	ssyncset.done $0x0;
	(pc) =	sbr.rel @p0 .LBB2_1-.Ltmp1, $4  }
0x1b: {  	[sflag:s7] =	ssyncadd.s32 $0xFFFFC000  }
0x1c: {  	[hbm4b:s8+s2] =	stream.linear.scatter [tilespmem:s6], [sflag:$0x2], $0x4000, $0x38;
	[tilespmem:$0x4080] =	vst v63  }
0x1d: {  	_ =	swait.ge [sflag:s3], $0x4000  }
0x1e: {  	[sflag:s3] =	ssyncset.done $0x0  }
.LBB2_2:
0x1f: {  	[sflag:s3] =	ssyncadd.s32 $0xFFFFC000  }
0x20: {  	_ =	sfence.sel $0x180000  }
0x21: {  	[bflag:$0x0] =	sbarrier.arrive $0xFFFF  }
0x22: {  	p0 =	sne.s32 s0, $0x0;
	_ =	strace $0x90000047  }
0x23: {  	s0 =	sadd.s32 @!p0 $0x100000, s1;
	[bflag:$0x2] =	sbarrier.arrive $0xFFFF  }
0x24: {  	[sflag:s0] =	ssyncadd.tile.s32 @!p0 $0x1;
	_ =	shalt  }
.Lfunc_end2:
_tile_overlayer_lowered:
.L_overlay_start_2:
0x25: {  	(tag) =	ssettag $0x2  }
0x26: {  	s0 =	rddreg [dreg:$0x0];
	s2 =	stileid.u32  }
0x27: {  	s1 =	rddreg [dreg:$0x1];
	p0 =	sne.s32 s2, $0x0  }
0x28: {  	s3 =	rddreg [dreg:$0x2];
	[bflag:$0x3] =	sbarrier.arrive $0xFFFF;
	s2 =	simm.s32 @!p0 $0x1C02  }
0x29: {  	[timem:s3], [sflag:s2] =	dma.local @!p0 [hbm:s0], s1  }
0x2a: {  	s0 =	simm.s32 @!p0 $0x2  }
0x2b: {  	_ =	swait.ge @!p0 [sflag:s0], s1  }
0x2c: {  	s1 =	ssub.s32 @!p0 $0x0, s1;
	[sflag:s0] =	ssyncset.done @!p0 $0x0  }
0x2d: {  	[sflag:s0] =	ssyncadd.s32 @!p0 s1  }
0x2e: {  	[bflag:$0x3] =	sbarrier.arrive $0xFFFF  }
0x2f: {  	_ =	shalt  }

</sc_bundles>
